<compile_context>
chip_gen: v7x
topology: tpu7x:2x2x1
jax: 0.10.2.dev20260603
libtpu: 0.0.44.dev20260713+nightly
codegen_flags: <defaults>
</compile_context>

<pallas_src>
import functools

import numpy as np
import jax
import jax.numpy as jnp
from jax import lax
from jax.experimental import pallas as pl
from jax.experimental.pallas import tpu as pltpu
from jax.experimental.pallas import tpu_sc as plsc

_B = 16384
_NUM_DENSE = 13
_NF = 26
_VOCAB = 100000
_D = 64
_NI = _NF + 1
_BOTTOM_IN = 16
_TOP_IN = 416

_ROWS_PER_DMA = 128
_NW = 32


def _sc_gather(table, idx2d):
    rows_total = idx2d.shape[0] * idx2d.shape[1]
    per_w = rows_total // _NW
    chunks = per_w // _ROWS_PER_DMA
    mesh = plsc.VectorSubcoreMesh(core_axis_name="c", subcore_axis_name="s")

    @functools.partial(
        pl.kernel,
        mesh=mesh,
        out_type=jax.ShapeDtypeStruct((rows_total, _D), jnp.float32),
        scratch_types=[
            pltpu.VMEM((chunks, _ROWS_PER_DMA), jnp.int32),
            pltpu.VMEM((_ROWS_PER_DMA, _D), jnp.float32),
            pltpu.SemaphoreType.DMA,
        ],
        compiler_params=pltpu.CompilerParams(use_tc_tiling_on_sc=False),
    )
    def gather_k(table_hbm, idx_hbm, out_hbm, idx_v, rows_v, sem):
        wid = lax.axis_index("s") * 2 + lax.axis_index("c")
        pltpu.sync_copy(idx_hbm.at[pl.ds(wid * chunks, chunks)], idx_v)

        def body(g, carry):
            pltpu.async_copy(table_hbm.at[idx_v.at[g]], rows_v, sem).wait()
            pltpu.sync_copy(
                rows_v,
                out_hbm.at[pl.ds((wid * chunks + g) * _ROWS_PER_DMA,
                                 _ROWS_PER_DMA)],
            )
            return carry

        lax.fori_loop(0, chunks, body, 0)

    return gather_k(table, idx2d)


def _dense_body(x_ref, emb_ref,
                bw0_ref, bb0_ref, bw1_ref, bb1_ref, bw2_ref, bb2_ref,
                w0b_ref, w0z_ref, tb0_ref,
                tw1_ref, tb1_ref, tw2_ref, tb2_ref,
                tw3_ref, tb3_ref, tw4_ref, tb4_ref,
                out_ref):
    f32 = jnp.float32
    x = x_ref[...]
    h = jnp.maximum(jnp.dot(x, bw0_ref[...], preferred_element_type=f32)
                    + bb0_ref[...], 0.0)
    h = jnp.maximum(jnp.dot(h, bw1_ref[...], preferred_element_type=f32)
                    + bb1_ref[...], 0.0)
    bot = jnp.maximum(jnp.dot(h, bw2_ref[...], preferred_element_type=f32)
                      + bb2_ref[...], 0.0)

    emb = emb_ref[...]
    x3 = jnp.concatenate([bot[:, None, :], emb], axis=1)
    z = lax.dot_general(x3, x3, (((2,), (2,)), ((0,), (0,))),
                        preferred_element_type=f32)
    zf = z.reshape(z.shape[0], _NI * _NI)

    h1 = (jnp.dot(bot, w0b_ref[...], preferred_element_type=f32)
          + jnp.dot(zf, w0z_ref[...], preferred_element_type=f32)
          + tb0_ref[...])
    h1 = jnp.maximum(h1, 0.0)
    h2 = jnp.maximum(jnp.dot(h1, tw1_ref[...], preferred_element_type=f32)
                     + tb1_ref[...], 0.0)
    h3 = jnp.maximum(jnp.dot(h2, tw2_ref[...], preferred_element_type=f32)
                     + tb2_ref[...], 0.0)
    h4 = jnp.maximum(jnp.dot(h3, tw3_ref[...], preferred_element_type=f32)
                     + tb3_ref[...], 0.0)
    out_ref[...] = (jnp.dot(h4, tw4_ref[...], preferred_element_type=f32)
                    + tb4_ref[...])


def _dense(x0, emb3, bw0, bb0, bw1, bb1, bw2, bb2,
           w0b, w0z, tb0, tw1, tb1, tw2, tb2, tw3, tb3, tw4, tb4):
    bt = 512
    grid = (_B // bt,)

    full = lambda b: (0, 0)
    full1 = lambda b: (0,)

    return pl.pallas_call(
        _dense_body,
        grid=grid,
        in_specs=[
            pl.BlockSpec((bt, _BOTTOM_IN), lambda b: (b, 0)),
            pl.BlockSpec((bt, _NF, _D), lambda b: (b, 0, 0)),
            pl.BlockSpec(bw0.shape, full), pl.BlockSpec(bb0.shape, full1),
            pl.BlockSpec(bw1.shape, full), pl.BlockSpec(bb1.shape, full1),
            pl.BlockSpec(bw2.shape, full), pl.BlockSpec(bb2.shape, full1),
            pl.BlockSpec(w0b.shape, full), pl.BlockSpec(w0z.shape, full),
            pl.BlockSpec(tb0.shape, full1),
            pl.BlockSpec(tw1.shape, full), pl.BlockSpec(tb1.shape, full1),
            pl.BlockSpec(tw2.shape, full), pl.BlockSpec(tb2.shape, full1),
            pl.BlockSpec(tw3.shape, full), pl.BlockSpec(tb3.shape, full1),
            pl.BlockSpec(tw4.shape, full), pl.BlockSpec(tb4.shape, full1),
        ],
        out_specs=pl.BlockSpec((bt, 1), lambda b: (b, 0)),
        out_shape=jax.ShapeDtypeStruct((_B, 1), jnp.float32),
        compiler_params=pltpu.CompilerParams(
            dimension_semantics=("arbitrary",),
        ),
    )(x0, emb3, bw0, bb0, bw1, bb1, bw2, bb2,
      w0b, w0z, tb0, tw1, tb1, tw2, tb2, tw3, tb3, tw4, tb4)


def kernel(numerical_features, categorical_features, embedding_tables,
           bw0, bb0, bw1, bb1, bw2, bb2,
           tw0, tb0, tw1, tb1, tw2, tb2, tw3, tb3, tw4, tb4):
    b = numerical_features.shape[0]

    table = embedding_tables.reshape(_NF * _VOCAB, _D)
    offsets = (jnp.arange(_NF, dtype=jnp.int32) * _VOCAB)[None, :]
    idx2d = (categorical_features + offsets).reshape(-1, _ROWS_PER_DMA)

    x0 = jnp.concatenate(
        [numerical_features,
         jnp.zeros((b, _BOTTOM_IN - _NUM_DENSE), jnp.float32)], axis=1)

    li, lj = np.tril_indices(_NI, -1)
    w0b = tw0[:_D]
    w0z = jnp.zeros((_NI * _NI, tw0.shape[1]), jnp.float32)
    w0z = w0z.at[li * _NI + lj].set(tw0[_D:_D + li.shape[0]])

    rows = _sc_gather(table, idx2d)
    emb3 = rows.reshape(b, _NF, _D)

    return _dense(x0, emb3, bw0, bb0, bw1, bb1, bw2, bb2,
                  w0b, w0z, tb0, tw1, tb1, tw2, tb2, tw3, tb3, tw4, tb4)

# --- scband reference (transcript-rebuilt; emitter-appended) ---
"""Pipeline reference for scband-dlrm-29472065585500 (READ-ONLY COPY).

The authoritative reference and input builder live on the scoring server;
editing this copy changes nothing except your own understanding.
"""

import jax, jax.numpy as jnp
import numpy as np

B = 16384
NUM_DENSE = 13
NUM_FIELDS = 26
VOCAB = 100000
EMBED_DIM = 64
BOTTOM_DIMS = [512, 256, 64]
TOP_DIMS = [1024, 1024, 512, 256, 1]
BOTTOM_IN = int(np.ceil(NUM_DENSE / 8.0) * 8)
N_INTER = (NUM_FIELDS + 1) * NUM_FIELDS // 2
TOP_IN = int(np.ceil((N_INTER + EMBED_DIM) / 8.0) * 8)


def _glorot(key, fi, fo):
    return jax.random.normal(key, (fi, fo), dtype=jnp.float32) * jnp.sqrt(2.0 / (fi + fo))


def setup_inputs(seed: int = 0):
    key = jax.random.key(seed)
    ks = jax.random.split(key, 32)
    inp = {}
    inp['numerical_features'] = jax.random.normal(ks[0], (B, NUM_DENSE), dtype=jnp.float32)
    inp['categorical_features'] = jax.random.randint(ks[1], (B, NUM_FIELDS), 0, VOCAB, dtype=jnp.int32)
    inp['embedding_tables'] = jax.random.uniform(ks[2], (NUM_FIELDS, VOCAB, EMBED_DIM), dtype=jnp.float32, minval=-0.05, maxval=0.05)
    dims = [BOTTOM_IN] + BOTTOM_DIMS
    for i in range(len(BOTTOM_DIMS)):
        inp['bw%d' % i] = _glorot(ks[3 + 2 * i], dims[i], dims[i + 1])
        inp['bb%d' % i] = jax.random.normal(ks[4 + 2 * i], (dims[i + 1],), dtype=jnp.float32) * np.sqrt(1.0 / dims[i + 1])
    tdims = [TOP_IN] + TOP_DIMS
    for i in range(len(TOP_DIMS)):
        inp['tw%d' % i] = _glorot(ks[10 + 2 * i], tdims[i], tdims[i + 1])
        inp['tb%d' % i] = jax.random.normal(ks[11 + 2 * i], (tdims[i + 1],), dtype=jnp.float32) * np.sqrt(1.0 / tdims[i + 1])
    return inp


def _forward(numerical_features, embedding_tables, bws, bbs, tws, tbs, categorical_features):
    b = numerical_features.shape[0]
    # bottom MLP with padding of dense features to a multiple of 8
    pad = jnp.zeros((b, BOTTOM_IN - NUM_DENSE), dtype=numerical_features.dtype)
    x = jnp.concatenate([numerical_features, pad], axis=1)
    for W, bias in zip(bws, bbs):
        x = jax.nn.relu(jnp.dot(x, W) + bias)
    bottom_out = x  # [B, EMBED_DIM]
    # per-field embedding lookup (the memory-bound gather)
    field_idx = jnp.arange(NUM_FIELDS)[None, :]
    emb = embedding_tables[field_idx, categorical_features]  # [B, NUM_FIELDS, EMBED_DIM]
    # dot interaction over [bottom_mlp_out; embeddings]
    inter_in = jnp.concatenate([bottom_out[:, None, :], emb], axis=1)  # [B, F+1, D]
    Z = jnp.einsum('bnd,bmd->bnm', inter_in, inter_in)
    li, lj = np.tril_indices(NUM_FIELDS + 1, -1)
    flat = Z[:, li, lj]  # [B, N_INTER]
    feat = jnp.concatenate([bottom_out, flat], axis=1)  # [B, EMBED_DIM + N_INTER]
    feat = jnp.concatenate([feat, jnp.zeros((b, TOP_IN - feat.shape[1]), dtype=feat.dtype)], axis=1)
    x = feat
    n = len(tws)
    for i, (W, bias) in enumerate(zip(tws, tbs)):
        x = jnp.dot(x, W) + bias
        if i < n - 1:
            x = jax.nn.relu(x)
    return x.astype(jnp.float32)


def reference(numerical_features, categorical_features, embedding_tables, bw0, bb0, bw1, bb1, bw2, bb2, tw0, tb0, tw1, tb1, tw2, tb2, tw3, tb3, tw4, tb4):
    return _forward(numerical_features, embedding_tables, [bw0, bw1, bw2], [bb0, bb1, bb2], [tw0, tw1, tw2, tw3, tw4], [tb0, tb1, tb2, tb3, tb4], categorical_features)

if __name__ == "__main__":
    import jax
    _d = setup_inputs()
    print(jax.jit(kernel)(*tuple(_d.values())))

</pallas_src>

<mosaic_0001>
#map = affine_map<(d0, d1) -> (0, 0)>
module attributes {stable_mosaic.version = 14 : i64} {
  func.func @gather_k(%arg0: i32, %arg1: i32, %arg2: memref<2600000x64xf32, #tpu.memory_space<hbm>>, %arg3: memref<3328x128xi32, #tpu.memory_space<hbm>>, %arg4: memref<425984x64xf32, #tpu.memory_space<hbm>>, %arg5: memref<104x128xi32, #tpu.memory_space<vmem>>, %arg6: memref<128x64xf32, #tpu.memory_space<vmem>>, %arg7: memref<!tpu.dma_semaphore, #tpu.memory_space<semaphore_mem>>) attributes {dimension_semantics = [#tpu.dimension_semantics<core_parallel>, #tpu.dimension_semantics<subcore_parallel>], iteration_bounds = array<i64: 2, 16>, scalar_prefetch = 0 : i64, scratch_operands = 3 : i64, tpu.core_type = #tpu.core_type<sc_vector_subcore>, window_params = [{transform_indices = #map}, {transform_indices = #map}, {transform_indices = #map}]} {
    %mul3A = arith.constant 2 : i32
    %mul3A_0 = arith.muli %arg1, %mul3A : i32
    %add3A = arith.addi %mul3A_0, %arg0 : i32
    %mul3A_1 = arith.constant 104 : i32
    %mul3A_2 = arith.muli %add3A, %mul3A_1 : i32
    "tpu.region"() ({
      %run_scoped3A = tpu.sem_alloc : memref<!tpu.dma_semaphore, #tpu.memory_space<semaphore_mem>>
      %dma_start3A = arith.constant 0 : i32
      %dma_start3A_8 = tpu.memref_slice %arg3[%mul3A_2, %dma_start3A] : memref<3328x128xi32, #tpu.memory_space<hbm>> -> memref<104x128xi32, #tpu.memory_space<hbm>>
      %dma_start3A_9 = arith.constant 0 : i32
      %dma_start3A_10 = tpu.memref_slice %arg3[%mul3A_2, %dma_start3A_9] : memref<3328x128xi32, #tpu.memory_space<hbm>> -> memref<104x128xi32, #tpu.memory_space<hbm>>
      tpu.enqueue_dma source(%dma_start3A_10 : memref<104x128xi32, #tpu.memory_space<hbm>>) target(%arg5 : memref<104x128xi32, #tpu.memory_space<vmem>>) target_semaphore(%run_scoped3A : memref<!tpu.dma_semaphore, #tpu.memory_space<semaphore_mem>>)
      %dma_wait3A = arith.constant 0 : i32
      %dma_wait3A_11 = tpu.memref_slice %arg3[%mul3A_2, %dma_wait3A] : memref<3328x128xi32, #tpu.memory_space<hbm>> -> memref<104x128xi32, #tpu.memory_space<hbm>>
      %dma_wait3A_12 = arith.constant 0 : i32
      %dma_wait3A_13 = tpu.memref_slice %arg3[%mul3A_2, %dma_wait3A_12] : memref<3328x128xi32, #tpu.memory_space<hbm>> -> memref<104x128xi32, #tpu.memory_space<hbm>>
      tpu.wait_dma2 semaphore(%run_scoped3A : memref<!tpu.dma_semaphore, #tpu.memory_space<semaphore_mem>>) src(%dma_wait3A_13 : memref<104x128xi32, #tpu.memory_space<hbm>>) dst(%arg5 : memref<104x128xi32, #tpu.memory_space<vmem>>)
      tpu.yield
    }) : () -> ()
    %scan3A = arith.constant 0 : i32
    %scan3A_3 = arith.constant 0 : i32
    %scan3A_4 = arith.constant 104 : i32
    %scan3A_5 = arith.addi %scan3A_3, %scan3A_4 : i32
    %scan3A_6 = arith.constant 1 : i32
    scf.for %scan3A_8 = %scan3A_3 to %scan3A_5 step %scan3A_6  : i32 {
      %dma_start3A = arith.constant 0 : i32
      %dma_start3A_9 = tpu.memref_slice %arg5[%scan3A_8, %dma_start3A] : memref<104x128xi32, #tpu.memory_space<vmem>> -> memref<1x128xi32, #tpu.memory_space<vmem>>
      %dma_start3A_10 = tpu.memref_squeeze %dma_start3A_9 : memref<1x128xi32, #tpu.memory_space<vmem>> -> memref<128xi32, #tpu.memory_space<vmem>>
      %dma_start3A_11 = arith.constant 0 : i32
      %dma_start3A_12 = arith.constant 0 : i32
      %dma_start3A_13 = tpu.memref_slice %arg2[%dma_start3A_11, %dma_start3A_12] : memref<2600000x64xf32, #tpu.memory_space<hbm>> -> memref<2600000x64xf32, #tpu.memory_space<hbm>>
      tpu.enqueue_indirect_dma source(%dma_start3A_13 : memref<2600000x64xf32, #tpu.memory_space<hbm>>) target(%arg6 : memref<128x64xf32, #tpu.memory_space<vmem>>) offsets(%dma_start3A_10 : memref<128xi32, #tpu.memory_space<vmem>>) semaphore(%arg7 : memref<!tpu.dma_semaphore, #tpu.memory_space<semaphore_mem>>)
      %dma_wait3A = arith.constant 0 : i32
      %dma_wait3A_14 = tpu.memref_slice %arg5[%scan3A_8, %dma_wait3A] : memref<104x128xi32, #tpu.memory_space<vmem>> -> memref<1x128xi32, #tpu.memory_space<vmem>>
      %dma_wait3A_15 = tpu.memref_squeeze %dma_wait3A_14 : memref<1x128xi32, #tpu.memory_space<vmem>> -> memref<128xi32, #tpu.memory_space<vmem>>
      %dma_wait3A_16 = arith.constant 0 : i32
      %dma_wait3A_17 = arith.constant 0 : i32
      %dma_wait3A_18 = tpu.memref_slice %arg2[%dma_wait3A_16, %dma_wait3A_17] : memref<2600000x64xf32, #tpu.memory_space<hbm>> -> memref<2600000x64xf32, #tpu.memory_space<hbm>>
      tpu.wait_indirect_dma semaphore(%arg7 : memref<!tpu.dma_semaphore, #tpu.memory_space<semaphore_mem>>) src(%dma_wait3A_18 : memref<2600000x64xf32, #tpu.memory_space<hbm>>) dst(%arg6 : memref<128x64xf32, #tpu.memory_space<vmem>>)
      %mul3A_19 = arith.constant 104 : i32
      %mul3A_20 = arith.muli %add3A, %mul3A_19 : i32
      %add3A_21 = arith.addi %mul3A_20, %scan3A_8 : i32
      %mul3A_22 = arith.constant 128 : i32
      %mul3A_23 = arith.muli %add3A_21, %mul3A_22 : i32
      "tpu.region"() ({
        %run_scoped3A = tpu.sem_alloc : memref<!tpu.dma_semaphore, #tpu.memory_space<semaphore_mem>>
        %dma_start3A_24 = arith.constant 0 : i32
        %dma_start3A_25 = tpu.memref_slice %arg4[%mul3A_23, %dma_start3A_24] : memref<425984x64xf32, #tpu.memory_space<hbm>> -> memref<128x64xf32, #tpu.memory_space<hbm>>
        %dma_start3A_26 = arith.constant 0 : i32
        %dma_start3A_27 = tpu.memref_slice %arg4[%mul3A_23, %dma_start3A_26] : memref<425984x64xf32, #tpu.memory_space<hbm>> -> memref<128x64xf32, #tpu.memory_space<hbm>>
        tpu.enqueue_dma source(%arg6 : memref<128x64xf32, #tpu.memory_space<vmem>>) target(%dma_start3A_27 : memref<128x64xf32, #tpu.memory_space<hbm>>) target_semaphore(%run_scoped3A : memref<!tpu.dma_semaphore, #tpu.memory_space<semaphore_mem>>)
        %dma_wait3A_28 = arith.constant 0 : i32
        %dma_wait3A_29 = tpu.memref_slice %arg4[%mul3A_23, %dma_wait3A_28] : memref<425984x64xf32, #tpu.memory_space<hbm>> -> memref<128x64xf32, #tpu.memory_space<hbm>>
        %dma_wait3A_30 = arith.constant 0 : i32
        %dma_wait3A_31 = tpu.memref_slice %arg4[%mul3A_23, %dma_wait3A_30] : memref<425984x64xf32, #tpu.memory_space<hbm>> -> memref<128x64xf32, #tpu.memory_space<hbm>>
        tpu.wait_dma2 semaphore(%run_scoped3A : memref<!tpu.dma_semaphore, #tpu.memory_space<semaphore_mem>>) src(%arg6 : memref<128x64xf32, #tpu.memory_space<vmem>>) dst(%dma_wait3A_31 : memref<128x64xf32, #tpu.memory_space<hbm>>)
        tpu.yield
      }) : () -> ()
    }
    %scan3A_7 = arith.constant 104 : i32
    return
  }
}

module attributes {stable_mosaic.version = 14 : i64} {
  func.func @_dense_body(%arg0: i32, %arg1: memref<512x16xf32, #tpu.memory_space<vmem>>, %arg2: memref<512x26x64xf32, #tpu.memory_space<vmem>>, %arg3: memref<16x512xf32, #tpu.memory_space<vmem>>, %arg4: memref<512xf32, #tpu.memory_space<vmem>>, %arg5: memref<512x256xf32, #tpu.memory_space<vmem>>, %arg6: memref<256xf32, #tpu.memory_space<vmem>>, %arg7: memref<256x64xf32, #tpu.memory_space<vmem>>, %arg8: memref<64xf32, #tpu.memory_space<vmem>>, %arg9: memref<64x1024xf32, #tpu.memory_space<vmem>>, %arg10: memref<729x1024xf32, #tpu.memory_space<vmem>>, %arg11: memref<1024xf32, #tpu.memory_space<vmem>>, %arg12: memref<1024x1024xf32, #tpu.memory_space<vmem>>, %arg13: memref<1024xf32, #tpu.memory_space<vmem>>, %arg14: memref<1024x512xf32, #tpu.memory_space<vmem>>, %arg15: memref<512xf32, #tpu.memory_space<vmem>>, %arg16: memref<512x256xf32, #tpu.memory_space<vmem>>, %arg17: memref<256xf32, #tpu.memory_space<vmem>>, %arg18: memref<256x1xf32, #tpu.memory_space<vmem>>, %arg19: memref<1xf32, #tpu.memory_space<vmem>>, %arg20: memref<512x1xf32, #tpu.memory_space<vmem>>) attributes {dimension_semantics = [#tpu.dimension_semantics<arbitrary>], iteration_bounds = array<i64: 32>, scalar_prefetch = 0 : i64, scratch_operands = 0 : i64, tpu.core_type = #tpu.core_type<tc>, window_params = [{transform_indices = @transform_0, window_bounds = array<i64: 512, 16>}, {transform_indices = @transform_1, window_bounds = array<i64: 512, 26, 64>}, {pipeline_mode = #tpu.pipeline_mode<synchronous>, transform_indices = @transform_2, window_bounds = array<i64: 16, 512>}, {pipeline_mode = #tpu.pipeline_mode<synchronous>, transform_indices = @transform_3, window_bounds = array<i64: 512>}, {pipeline_mode = #tpu.pipeline_mode<synchronous>, transform_indices = @transform_4, window_bounds = array<i64: 512, 256>}, {pipeline_mode = #tpu.pipeline_mode<synchronous>, transform_indices = @transform_5, window_bounds = array<i64: 256>}, {pipeline_mode = #tpu.pipeline_mode<synchronous>, transform_indices = @transform_6, window_bounds = array<i64: 256, 64>}, {pipeline_mode = #tpu.pipeline_mode<synchronous>, transform_indices = @transform_7, window_bounds = array<i64: 64>}, {pipeline_mode = #tpu.pipeline_mode<synchronous>, transform_indices = @transform_8, window_bounds = array<i64: 64, 1024>}, {pipeline_mode = #tpu.pipeline_mode<synchronous>, transform_indices = @transform_9, window_bounds = array<i64: 729, 1024>}, {pipeline_mode = #tpu.pipeline_mode<synchronous>, transform_indices = @transform_10, window_bounds = array<i64: 1024>}, {pipeline_mode = #tpu.pipeline_mode<synchronous>, transform_indices = @transform_11, window_bounds = array<i64: 1024, 1024>}, {pipeline_mode = #tpu.pipeline_mode<synchronous>, transform_indices = @transform_12, window_bounds = array<i64: 1024>}, {pipeline_mode = #tpu.pipeline_mode<synchronous>, transform_indices = @transform_13, window_bounds = array<i64: 1024, 512>}, {pipeline_mode = #tpu.pipeline_mode<synchronous>, transform_indices = @transform_14, window_bounds = array<i64: 512>}, {pipeline_mode = #tpu.pipeline_mode<synchronous>, transform_indices = @transform_15, window_bounds = array<i64: 512, 256>}, {pipeline_mode = #tpu.pipeline_mode<synchronous>, transform_indices = @transform_16, window_bounds = array<i64: 256>}, {pipeline_mode = #tpu.pipeline_mode<synchronous>, transform_indices = @transform_17, window_bounds = array<i64: 256, 1>}, {pipeline_mode = #tpu.pipeline_mode<synchronous>, transform_indices = @transform_18, window_bounds = array<i64: 1>}, {transform_indices = @transform_19, window_bounds = array<i64: 512, 1>}]} {
    %get3A = arith.constant 0 : index
    %get3A_0 = arith.constant 0 : index
    %get3A_1 = vector.load %arg1[%get3A, %get3A_0] : memref<512x16xf32, #tpu.memory_space<vmem>>, vector<512x16xf32>
    %get3A_2 = arith.constant 0 : index
    %get3A_3 = arith.constant 0 : index
    %get3A_4 = vector.load %arg3[%get3A_2, %get3A_3] : memref<16x512xf32, #tpu.memory_space<vmem>>, vector<16x512xf32>
    %dot_general3A = arith.constant dense<0.000000e+00> : vector<512x512xf32>
    %dot_general3A_5 = tpu.matmul %get3A_1, %get3A_4, %dot_general3A {dimension_numbers = #tpu.dot_dimension_numbers<[1], [0], [0], [1], [0, 0, 1, 1], [], []>, transpose_lhs_hint = false} : vector<512x16xf32>, vector<16x512xf32>, vector<512x512xf32> -> vector<512x512xf32>
    %get3A_6 = arith.constant 0 : index
    %get3A_7 = vector.load %arg4[%get3A_6] : memref<512xf32, #tpu.memory_space<vmem>>, vector<512xf32>
    %broadcast_in_dim3A = vector.shape_cast %get3A_7 : vector<512xf32> to vector<1x512xf32>
    %add3A = vector.broadcast %broadcast_in_dim3A : vector<1x512xf32> to vector<512x512xf32>
    %add3A_8 = arith.addf %dot_general3A_5, %add3A : vector<512x512xf32>
    %max3A = arith.constant 0.000000e+00 : f32
    %max3A_9 = vector.broadcast %max3A : f32 to vector<512x512xf32>
    %max3A_10 = arith.maximumf %add3A_8, %max3A_9 : vector<512x512xf32>
    %get3A_11 = arith.constant 0 : index
    %get3A_12 = arith.constant 0 : index
    %get3A_13 = vector.load %arg5[%get3A_11, %get3A_12] : memref<512x256xf32, #tpu.memory_space<vmem>>, vector<512x256xf32>
    %dot_general3A_14 = arith.constant dense<0.000000e+00> : vector<512x256xf32>
    %dot_general3A_15 = tpu.matmul %max3A_10, %get3A_13, %dot_general3A_14 {dimension_numbers = #tpu.dot_dimension_numbers<[1], [0], [0], [1], [0, 0, 1, 1], [], []>, transpose_lhs_hint = false} : vector<512x512xf32>, vector<512x256xf32>, vector<512x256xf32> -> vector<512x256xf32>
    %get3A_16 = arith.constant 0 : index
    %get3A_17 = vector.load %arg6[%get3A_16] : memref<256xf32, #tpu.memory_space<vmem>>, vector<256xf32>
    %broadcast_in_dim3A_18 = vector.shape_cast %get3A_17 : vector<256xf32> to vector<1x256xf32>
    %add3A_19 = vector.broadcast %broadcast_in_dim3A_18 : vector<1x256xf32> to vector<512x256xf32>
    %add3A_20 = arith.addf %dot_general3A_15, %add3A_19 : vector<512x256xf32>
    %max3A_21 = arith.constant 0.000000e+00 : f32
    %max3A_22 = vector.broadcast %max3A_21 : f32 to vector<512x256xf32>
    %max3A_23 = arith.maximumf %add3A_20, %max3A_22 : vector<512x256xf32>
    %get3A_24 = arith.constant 0 : index
    %get3A_25 = arith.constant 0 : index
    %get3A_26 = vector.load %arg7[%get3A_24, %get3A_25] : memref<256x64xf32, #tpu.memory_space<vmem>>, vector<256x64xf32>
    %dot_general3A_27 = arith.constant dense<0.000000e+00> : vector<512x64xf32>
    %dot_general3A_28 = tpu.matmul %max3A_23, %get3A_26, %dot_general3A_27 {dimension_numbers = #tpu.dot_dimension_numbers<[1], [0], [0], [1], [0, 0, 1, 1], [], []>, transpose_lhs_hint = false} : vector<512x256xf32>, vector<256x64xf32>, vector<512x64xf32> -> vector<512x64xf32>
    %get3A_29 = arith.constant 0 : index
    %get3A_30 = vector.load %arg8[%get3A_29] : memref<64xf32, #tpu.memory_space<vmem>>, vector<64xf32>
    %broadcast_in_dim3A_31 = vector.shape_cast %get3A_30 : vector<64xf32> to vector<1x64xf32>
    %add3A_32 = vector.broadcast %broadcast_in_dim3A_31 : vector<1x64xf32> to vector<512x64xf32>
    %add3A_33 = arith.addf %dot_general3A_28, %add3A_32 : vector<512x64xf32>
    %max3A_34 = arith.constant 0.000000e+00 : f32
    %max3A_35 = vector.broadcast %max3A_34 : f32 to vector<512x64xf32>
    %max3A_36 = arith.maximumf %add3A_33, %max3A_35 : vector<512x64xf32>
    %get3A_37 = arith.constant 0 : index
    %get3A_38 = arith.constant 0 : index
    %get3A_39 = arith.constant 0 : index
    %get3A_40 = vector.load %arg2[%get3A_37, %get3A_38, %get3A_39] : memref<512x26x64xf32, #tpu.memory_space<vmem>>, vector<512x26x64xf32>
    %broadcast_in_dim3A_41 = vector.shape_cast %max3A_36 : vector<512x64xf32> to vector<512x1x64xf32>
    %concatenate3A = tpu.concatenate %broadcast_in_dim3A_41, %get3A_40 in 1 : vector<512x1x64xf32>, vector<512x26x64xf32> -> vector<512x27x64xf32>
    %dot_general3A_42 = arith.constant dense<0.000000e+00> : vector<512x27x27xf32>
    %dot_general3A_43 = tpu.matmul %concatenate3A, %concatenate3A, %dot_general3A_42 {dimension_numbers = #tpu.dot_dimension_numbers<[2], [2], [1], [1], [0, 0, 0, 1, 1, 1], [0], [0]>, transpose_lhs_hint = false} : vector<512x27x64xf32>, vector<512x27x64xf32>, vector<512x27x27xf32> -> vector<512x27x27xf32>
    %reshape3A = vector.shape_cast %dot_general3A_43 : vector<512x27x27xf32> to vector<512x729xf32>
    %get3A_44 = arith.constant 0 : index
    %get3A_45 = arith.constant 0 : index
    %get3A_46 = vector.load %arg9[%get3A_44, %get3A_45] : memref<64x1024xf32, #tpu.memory_space<vmem>>, vector<64x1024xf32>
    %dot_general3A_47 = arith.constant dense<0.000000e+00> : vector<512x1024xf32>
    %dot_general3A_48 = tpu.matmul %max3A_36, %get3A_46, %dot_general3A_47 {dimension_numbers = #tpu.dot_dimension_numbers<[1], [0], [0], [1], [0, 0, 1, 1], [], []>, transpose_lhs_hint = false} : vector<512x64xf32>, vector<64x1024xf32>, vector<512x1024xf32> -> vector<512x1024xf32>
    %get3A_49 = arith.constant 0 : index
    %get3A_50 = arith.constant 0 : index
    %get3A_51 = vector.load %arg10[%get3A_49, %get3A_50] : memref<729x1024xf32, #tpu.memory_space<vmem>>, vector<729x1024xf32>
    %dot_general3A_52 = arith.constant dense<0.000000e+00> : vector<512x1024xf32>
    %dot_general3A_53 = tpu.matmul %reshape3A, %get3A_51, %dot_general3A_52 {dimension_numbers = #tpu.dot_dimension_numbers<[1], [0], [0], [1], [0, 0, 1, 1], [], []>, transpose_lhs_hint = false} : vector<512x729xf32>, vector<729x1024xf32>, vector<512x1024xf32> -> vector<512x1024xf32>
    %add3A_54 = arith.addf %dot_general3A_48, %dot_general3A_53 : vector<512x1024xf32>
    %get3A_55 = arith.constant 0 : index
    %get3A_56 = vector.load %arg11[%get3A_55] : memref<1024xf32, #tpu.memory_space<vmem>>, vector<1024xf32>
    %broadcast_in_dim3A_57 = vector.shape_cast %get3A_56 : vector<1024xf32> to vector<1x1024xf32>
    %add3A_58 = vector.broadcast %broadcast_in_dim3A_57 : vector<1x1024xf32> to vector<512x1024xf32>
    %add3A_59 = arith.addf %add3A_54, %add3A_58 : vector<512x1024xf32>
    %max3A_60 = arith.constant 0.000000e+00 : f32
    %max3A_61 = vector.broadcast %max3A_60 : f32 to vector<512x1024xf32>
    %max3A_62 = arith.maximumf %add3A_59, %max3A_61 : vector<512x1024xf32>
    %get3A_63 = arith.constant 0 : index
    %get3A_64 = arith.constant 0 : index
    %get3A_65 = vector.load %arg12[%get3A_63, %get3A_64] : memref<1024x1024xf32, #tpu.memory_space<vmem>>, vector<1024x1024xf32>
    %dot_general3A_66 = arith.constant dense<0.000000e+00> : vector<512x1024xf32>
    %dot_general3A_67 = tpu.matmul %max3A_62, %get3A_65, %dot_general3A_66 {dimension_numbers = #tpu.dot_dimension_numbers<[1], [0], [0], [1], [0, 0, 1, 1], [], []>, transpose_lhs_hint = false} : vector<512x1024xf32>, vector<1024x1024xf32>, vector<512x1024xf32> -> vector<512x1024xf32>
    %get3A_68 = arith.constant 0 : index
    %get3A_69 = vector.load %arg13[%get3A_68] : memref<1024xf32, #tpu.memory_space<vmem>>, vector<1024xf32>
    %broadcast_in_dim3A_70 = vector.shape_cast %get3A_69 : vector<1024xf32> to vector<1x1024xf32>
    %add3A_71 = vector.broadcast %broadcast_in_dim3A_70 : vector<1x1024xf32> to vector<512x1024xf32>
    %add3A_72 = arith.addf %dot_general3A_67, %add3A_71 : vector<512x1024xf32>
    %max3A_73 = arith.constant 0.000000e+00 : f32
    %max3A_74 = vector.broadcast %max3A_73 : f32 to vector<512x1024xf32>
    %max3A_75 = arith.maximumf %add3A_72, %max3A_74 : vector<512x1024xf32>
    %get3A_76 = arith.constant 0 : index
    %get3A_77 = arith.constant 0 : index
    %get3A_78 = vector.load %arg14[%get3A_76, %get3A_77] : memref<1024x512xf32, #tpu.memory_space<vmem>>, vector<1024x512xf32>
    %dot_general3A_79 = arith.constant dense<0.000000e+00> : vector<512x512xf32>
    %dot_general3A_80 = tpu.matmul %max3A_75, %get3A_78, %dot_general3A_79 {dimension_numbers = #tpu.dot_dimension_numbers<[1], [0], [0], [1], [0, 0, 1, 1], [], []>, transpose_lhs_hint = false} : vector<512x1024xf32>, vector<1024x512xf32>, vector<512x512xf32> -> vector<512x512xf32>
    %get3A_81 = arith.constant 0 : index
    %get3A_82 = vector.load %arg15[%get3A_81] : memref<512xf32, #tpu.memory_space<vmem>>, vector<512xf32>
    %broadcast_in_dim3A_83 = vector.shape_cast %get3A_82 : vector<512xf32> to vector<1x512xf32>
    %add3A_84 = vector.broadcast %broadcast_in_dim3A_83 : vector<1x512xf32> to vector<512x512xf32>
    %add3A_85 = arith.addf %dot_general3A_80, %add3A_84 : vector<512x512xf32>
    %max3A_86 = arith.constant 0.000000e+00 : f32
    %max3A_87 = vector.broadcast %max3A_86 : f32 to vector<512x512xf32>
    %max3A_88 = arith.maximumf %add3A_85, %max3A_87 : vector<512x512xf32>
    %get3A_89 = arith.constant 0 : index
    %get3A_90 = arith.constant 0 : index
    %get3A_91 = vector.load %arg16[%get3A_89, %get3A_90] : memref<512x256xf32, #tpu.memory_space<vmem>>, vector<512x256xf32>
    %dot_general3A_92 = arith.constant dense<0.000000e+00> : vector<512x256xf32>
    %dot_general3A_93 = tpu.matmul %max3A_88, %get3A_91, %dot_general3A_92 {dimension_numbers = #tpu.dot_dimension_numbers<[1], [0], [0], [1], [0, 0, 1, 1], [], []>, transpose_lhs_hint = false} : vector<512x512xf32>, vector<512x256xf32>, vector<512x256xf32> -> vector<512x256xf32>
    %get3A_94 = arith.constant 0 : index
    %get3A_95 = vector.load %arg17[%get3A_94] : memref<256xf32, #tpu.memory_space<vmem>>, vector<256xf32>
    %broadcast_in_dim3A_96 = vector.shape_cast %get3A_95 : vector<256xf32> to vector<1x256xf32>
    %add3A_97 = vector.broadcast %broadcast_in_dim3A_96 : vector<1x256xf32> to vector<512x256xf32>
    %add3A_98 = arith.addf %dot_general3A_93, %add3A_97 : vector<512x256xf32>
    %max3A_99 = arith.constant 0.000000e+00 : f32
    %max3A_100 = vector.broadcast %max3A_99 : f32 to vector<512x256xf32>
    %max3A_101 = arith.maximumf %add3A_98, %max3A_100 : vector<512x256xf32>
    %get3A_102 = arith.constant 0 : index
    %get3A_103 = arith.constant 0 : index
    %get3A_104 = vector.load %arg18[%get3A_102, %get3A_103] : memref<256x1xf32, #tpu.memory_space<vmem>>, vector<256x1xf32>
    %dot_general3A_105 = arith.constant dense<0.000000e+00> : vector<512x1xf32>
    %dot_general3A_106 = tpu.matmul %max3A_101, %get3A_104, %dot_general3A_105 {dimension_numbers = #tpu.dot_dimension_numbers<[1], [0], [0], [1], [0, 0, 1, 1], [], []>, transpose_lhs_hint = false} : vector<512x256xf32>, vector<256x1xf32>, vector<512x1xf32> -> vector<512x1xf32>
    %get3A_107 = arith.constant 0 : index
    %get3A_108 = vector.load %arg19[%get3A_107] : memref<1xf32, #tpu.memory_space<vmem>>, vector<1xf32>
    %broadcast_in_dim3A_109 = vector.shape_cast %get3A_108 : vector<1xf32> to vector<1x1xf32>
    %add3A_110 = vector.broadcast %broadcast_in_dim3A_109 : vector<1x1xf32> to vector<512x1xf32>
    %add3A_111 = arith.addf %dot_general3A_106, %add3A_110 : vector<512x1xf32>
    %swap3A = arith.constant 0 : index
    %swap3A_112 = arith.constant 0 : index
    %swap3A_113 = vector.load %arg20[%swap3A, %swap3A_112] : memref<512x1xf32, #tpu.memory_space<vmem>>, vector<512x1xf32>
    tpu.vector_store %arg20[%swap3A, %swap3A_112], %add3A_111 {strides = array<i32>} : memref<512x1xf32, #tpu.memory_space<vmem>>, vector<512x1xf32>,
    return
  }
  func.func @transform_0(%arg0: i32) -> (i32, i32) {
    %c0_i32 = arith.constant 0 : i32
    %c0_i32_0 = arith.constant 0 : i32
    return %arg0, %c0_i32 : i32, i32
  }
  func.func @transform_1(%arg0: i32) -> (i32, i32, i32) {
    %c0_i32 = arith.constant 0 : i32
    %c0_i32_0 = arith.constant 0 : i32
    %c0_i32_1 = arith.constant 0 : i32
    return %arg0, %c0_i32, %c0_i32_0 : i32, i32, i32
  }
  func.func @transform_2(%arg0: i32) -> (i32, i32) {
    %c0_i32 = arith.constant 0 : i32
    %c0_i32_0 = arith.constant 0 : i32
    %c0_i32_1 = arith.constant 0 : i32
    return %c0_i32, %c0_i32_0 : i32, i32
  }
  func.func @transform_3(%arg0: i32) -> i32 {
    %c0_i32 = arith.constant 0 : i32
    %c0_i32_0 = arith.constant 0 : i32
    return %c0_i32 : i32
  }
  func.func @transform_4(%arg0: i32) -> (i32, i32) {
    %c0_i32 = arith.constant 0 : i32
    %c0_i32_0 = arith.constant 0 : i32
    %c0_i32_1 = arith.constant 0 : i32
    return %c0_i32, %c0_i32_0 : i32, i32
  }
  func.func @transform_5(%arg0: i32) -> i32 {
    %c0_i32 = arith.constant 0 : i32
    %c0_i32_0 = arith.constant 0 : i32
    return %c0_i32 : i32
  }
  func.func @transform_6(%arg0: i32) -> (i32, i32) {
    %c0_i32 = arith.constant 0 : i32
    %c0_i32_0 = arith.constant 0 : i32
    %c0_i32_1 = arith.constant 0 : i32
    return %c0_i32, %c0_i32_0 : i32, i32
  }
  func.func @transform_7(%arg0: i32) -> i32 {
    %c0_i32 = arith.constant 0 : i32
    %c0_i32_0 = arith.constant 0 : i32
    return %c0_i32 : i32
  }
  func.func @transform_8(%arg0: i32) -> (i32, i32) {
    %c0_i32 = arith.constant 0 : i32
    %c0_i32_0 = arith.constant 0 : i32
    %c0_i32_1 = arith.constant 0 : i32
    return %c0_i32, %c0_i32_0 : i32, i32
  }
  func.func @transform_9(%arg0: i32) -> (i32, i32) {
    %c0_i32 = arith.constant 0 : i32
    %c0_i32_0 = arith.constant 0 : i32
    %c0_i32_1 = arith.constant 0 : i32
    return %c0_i32, %c0_i32_0 : i32, i32
  }
  func.func @transform_10(%arg0: i32) -> i32 {
    %c0_i32 = arith.constant 0 : i32
    %c0_i32_0 = arith.constant 0 : i32
    return %c0_i32 : i32
  }
  func.func @transform_11(%arg0: i32) -> (i32, i32) {
    %c0_i32 = arith.constant 0 : i32
    %c0_i32_0 = arith.constant 0 : i32
    %c0_i32_1 = arith.constant 0 : i32
    return %c0_i32, %c0_i32_0 : i32, i32
  }
  func.func @transform_12(%arg0: i32) -> i32 {
    %c0_i32 = arith.constant 0 : i32
    %c0_i32_0 = arith.constant 0 : i32
    return %c0_i32 : i32
  }
  func.func @transform_13(%arg0: i32) -> (i32, i32) {
    %c0_i32 = arith.constant 0 : i32
    %c0_i32_0 = arith.constant 0 : i32
    %c0_i32_1 = arith.constant 0 : i32
    return %c0_i32, %c0_i32_0 : i32, i32
  }
  func.func @transform_14(%arg0: i32) -> i32 {
    %c0_i32 = arith.constant 0 : i32
    %c0_i32_0 = arith.constant 0 : i32
    return %c0_i32 : i32
  }
  func.func @transform_15(%arg0: i32) -> (i32, i32) {
    %c0_i32 = arith.constant 0 : i32
    %c0_i32_0 = arith.constant 0 : i32
    %c0_i32_1 = arith.constant 0 : i32
    return %c0_i32, %c0_i32_0 : i32, i32
  }
  func.func @transform_16(%arg0: i32) -> i32 {
    %c0_i32 = arith.constant 0 : i32
    %c0_i32_0 = arith.constant 0 : i32
    return %c0_i32 : i32
  }
  func.func @transform_17(%arg0: i32) -> (i32, i32) {
    %c0_i32 = arith.constant 0 : i32
    %c0_i32_0 = arith.constant 0 : i32
    %c0_i32_1 = arith.constant 0 : i32
    return %c0_i32, %c0_i32_0 : i32, i32
  }
  func.func @transform_18(%arg0: i32) -> i32 {
    %c0_i32 = arith.constant 0 : i32
    %c0_i32_0 = arith.constant 0 : i32
    return %c0_i32 : i32
  }
  func.func @transform_19(%arg0: i32) -> (i32, i32) {
    %c0_i32 = arith.constant 0 : i32
    %c0_i32_0 = arith.constant 0 : i32
    return %arg0, %c0_i32 : i32, i32
  }
}

</mosaic_0001>

<sc_bundles>
// kernel: kernel.4.cloned.1.call-start
scs
__scs_entry_jumppad:
0x0: {  	(pc) =	sbr.rel $0x88, $3  }
0x1: {  	(tag) =	ssettag $0x0;
	lr =	simm.s32 $0x1  }
0x2: {  	[smem:$0x3F8E] =	sst lr;
	_ =	strace $0xD0000000  }
0x3: {  	_ = 	snop  }
0x4: {  	_ = 	snop  }
0x5: {  	_ = 	snop  }
0x6: {  	_ = 	snop  }
0x7: {  	_ = 	snop  }
__scs_overlays_trampoline_lowered:
0x8: {  	[smem:$0x3F9D] =	sst s0  }
0x9: {  	[smem:$0x3F9E] =	sst s1  }
0xa: {  	[smem:$0x3F9F] =	sst s2  }
0xb: {  	[smem:$0x3FA0] =	sst s3  }
0xc: {  	[smem:$0x3FA1] =	sst s4  }
0xd: {  	[smem:$0x3FA2] =	sst s5  }
0xe: {  	[smem:$0x3FA3] =	sst s6  }
0xf: {  	[smem:$0x3FA4] =	sst s7  }
0x10: {  	[smem:$0x3FA5] =	sst s8  }
0x11: {  	[smem:$0x3FA6] =	sst s9;
	s0 =	simm.s32 @!p0 $0x0  }
0x12: {  	s1 =	sld [smem:$0x3F8C];
	s0 =	simm.s32 @p0 $0x1  }
0x13: {  	[smem:$0x3FA7] =	sst s0;
	s0 =	simm.s32 @!p1 $0x0  }
0x14: {  	s2 =	sld [smem:$0x3F8B];
	s0 =	simm.s32 @p1 $0x1  }
0x15: {  	[smem:$0x3FA8] =	sst s0;
	s0 =	simm.s32 @!p2 $0x0  }
0x16: {  	s3 =	sld [smem:$0x3FDB];
	s0 =	simm.s32 @p2 $0x1  }
0x17: {  	s4 =	simm.s32 $0x1BF5;
	[smem:$0x3FAA] =	sst s0  }
0x18: {  	s0 =	sld [smem:$0x3F8D];
	_ =	swait.ge [sflag:s4], $0x0  }
0x19: {  	s7 =	sld [smem:$0x3F8E]  }
0x1a: {  	s8 =	sadd.s32 $0xFFFFE003, lr  }
0x1b: {  	s9 =	sadd.s32 $0xFFFFFEF7, lr;
	s5 =	simm.s32 $0xFFFFFFFF;
	p2 =	slt.u32 s8, $0xFFFFF086  }
0x1c: {  	p1 =	slt.u32 s9, $0xF7A;
	s5 =	simm.s32 @!p2 $0x0  }
0x1d: {  	s5 =	simm.s32 @p1 $0x1;
	p0 =	seq.s32 s7, s2  }
0x1e: {  	s7 =	smul.u32 @!p0 $0xF7A, s2;
	p2 =	seq.s32 @!p0 s5, $0x0  }
0x1f: {  	s9 =	smul.u32 $0xF7A, s1;
	s8 =	simm.s32 @!p0 $0x1BF5;
	p2 =	por !p2, p0  }
0x20: {  	[sflag:s8] =	ssyncset.s32 @!p0 $0xFFFFF086;
	s6 =	sadd.s32 @!p0 s3, s7;
	s7 =	simm.s32 @!p0 $0x108  }
0x21: {  	s3 =	sadd.s32 s3, s9;
	s6 =	sadd.s32 @!p0 $0x88, s6;
	s7 =	simm.s32 @p2 $0x1082  }
0x22: {  	[simem:s7], [sflag:s8] =	dma.local @!p0 [hbm:s6], $0xF7A  }
0x23: {  	s9 =	sor.u32 $0xD0000000, s2;
	s6 =	simm.s32 $0x108;
	_ =	swait.ge @!p0 [sflag:s8], $0x0  }
0x24: {  	s3 =	sadd.s32 $0x88, s3;
	s6 =	simm.s32 @!p1 $0x1082;
	[sflag:s4] =	ssyncset.s32 $0xFFFFF086  }
0x25: {  	[simem:s6], [sflag:s4] =	dma.local [hbm:s3], $0xF7A  }
0x26: {  	[smem:$0x3F8E] =	sst s1;
	(tag) =	ssettag s2;
	_ =	strace s9  }
0x27: {  	s1 =	sld [smem:$0x3F9E]  }
0x28: {  	s2 =	sld [smem:$0x3F9F]  }
0x29: {  	s4 =	sld [smem:$0x3FA1]  }
0x2a: {  	p0 =	seq.s32 s5, $0x0;
	s5 =	sld [smem:$0x3FA2]  }
0x2b: {  	s6 =	sld [smem:$0x3FA3]  }
0x2c: {  	s7 =	sld [smem:$0x3FA4]  }
0x2d: {  	s3 =	simm.s32 $0x108;
	s8 =	sld [smem:$0x3FA5]  }
0x2e: {  	s3 =	simm.s32 @!p0 $0x1082;
	s9 =	sld [smem:$0x3FA6]  }
0x2f: {  	lr =	sadd.s32 s0, s3;
	s0 =	sld [smem:$0x3F9D]  }
0x30: {  	s3 =	sld [smem:$0x3FA0]  }
0x31: {  	[smem:$0x3FA9] =	sst s10  }
0x32: {  	s10 =	sld [smem:$0x3FA7];
	_ =	sdelay $0x3  }
0x33: {  	p0 =	seq.s32 s10, $0x1;
	s10 =	sld [smem:$0x3FA9];
	_ =	sdelay $0x3  }
0x34: {  	[smem:$0x3FA9] =	sst s10  }
0x35: {  	s10 =	sld [smem:$0x3FA8];
	_ =	sdelay $0x3  }
0x36: {  	p1 =	seq.s32 s10, $0x1;
	s10 =	sld [smem:$0x3FA9];
	_ =	sdelay $0x3  }
0x37: {  	[smem:$0x3FA9] =	sst s10  }
0x38: {  	s10 =	sld [smem:$0x3FAA]  }
0x39: {  	_ = 	snop;
	(pc) =	sbr.ind lr, $3  }
0x3a: {  	_ = 	snop  }
0x3b: {  	_ = 	snop  }
0x3c: {  	p2 =	seq.s32 s10, $0x1;
	s10 =	sld [smem:$0x3FA9]  }
0x3d: {  	_ =	shalt  }
0x3e: {  	_ =	shalt  }
0x3f: {  	_ =	shalt  }
0x40: {  	_ =	shalt  }
0x41: {  	_ =	shalt  }
0x42: {  	_ =	shalt  }
0x43: {  	_ =	shalt  }
0x44: {  	_ =	shalt  }
0x45: {  	_ =	shalt  }
0x46: {  	_ =	shalt  }
0x47: {  	_ =	shalt  }
0x48: {  	_ =	shalt  }
0x49: {  	_ =	shalt  }
0x4a: {  	_ =	shalt  }
0x4b: {  	_ =	shalt  }
0x4c: {  	_ =	shalt  }
0x4d: {  	_ =	shalt  }
0x4e: {  	_ =	shalt  }
0x4f: {  	_ =	shalt  }
0x50: {  	_ =	shalt  }
0x51: {  	_ =	shalt  }
0x52: {  	_ =	shalt  }
0x53: {  	_ =	shalt  }
0x54: {  	_ =	shalt  }
0x55: {  	_ =	shalt  }
0x56: {  	_ =	shalt  }
0x57: {  	_ =	shalt  }
0x58: {  	_ =	shalt  }
0x59: {  	_ =	shalt  }
0x5a: {  	_ =	shalt  }
0x5b: {  	_ =	shalt  }
0x5c: {  	_ =	shalt  }
0x5d: {  	_ =	shalt  }
0x5e: {  	_ =	shalt  }
0x5f: {  	_ =	shalt  }
0x60: {  	_ =	shalt  }
0x61: {  	_ =	shalt  }
0x62: {  	_ =	shalt  }
0x63: {  	_ =	shalt  }
0x64: {  	_ =	shalt  }
0x65: {  	_ =	shalt  }
0x66: {  	_ =	shalt  }
0x67: {  	_ =	shalt  }
0x68: {  	_ =	shalt  }
0x69: {  	_ =	shalt  }
0x6a: {  	_ =	shalt  }
0x6b: {  	_ =	shalt  }
0x6c: {  	_ =	shalt  }
0x6d: {  	_ =	shalt  }
0x6e: {  	_ =	shalt  }
0x6f: {  	_ =	shalt  }
0x70: {  	_ =	shalt  }
0x71: {  	_ =	shalt  }
0x72: {  	_ =	shalt  }
0x73: {  	_ =	shalt  }
0x74: {  	_ =	shalt  }
0x75: {  	_ =	shalt  }
0x76: {  	_ =	shalt  }
0x77: {  	_ =	shalt  }
0x78: {  	_ =	shalt  }
0x79: {  	_ =	shalt  }
0x7a: {  	_ =	shalt  }
0x7b: {  	_ =	shalt  }
0x7c: {  	_ =	shalt  }
0x7d: {  	_ =	shalt  }
0x7e: {  	_ =	shalt  }
0x7f: {  	_ =	shalt  }
0x80: {  	_ =	shalt  }
0x81: {  	_ =	shalt  }
0x82: {  	_ =	shalt  }
0x83: {  	_ =	shalt  }
0x84: {  	_ =	shalt  }
0x85: {  	_ =	shalt  }
0x86: {  	_ =	shalt  }
0x87: {  	_ =	shalt  }
.Lfunc_end0:
.L_simem_size_0:
called_computation_lowered:
.L_overlay_start_0:
0x88: {  	s2 =	sld [smem:$0x3FD9]  }
0x89: {  	s3 =	sld [smem:$0x3FFE];
	_ =	sdelay $0x1  }
0x8a: {  	s1 =	srdreg.scid  }
0x8b: {  	s0 =	sand.u32 $0x1, s1  }
0x8c: {  	s16 =	sshll.u32 s0, $0xA;
	s2 =	sadd.s32 s3, s2  }
0x8d: {  	s2 =	sadd.s32 s2, s16  }
0x8e: {  	[smem:$0x3FB5] =	sst s2  }
0x8f: {  	_ = 	snop  }
0x90: {  	(tm) =	ssettm $0x1  }
0x91: {  	s17 =	sld [smem:$0x3FFB];
	_ =	sdelay $0x3  }
0x92: {  	_ =	strace s17  }
0x93: {  	s2 =	sld [smem:$0x3FFC];
	_ =	sdelay $0x3  }
0x94: {  	_ =	strace s2  }
0x95: {  	s2 =	sld [smem:$0x3FFD];
	_ =	sdelay $0x3  }
0x96: {  	_ =	strace s2  }
0x97: {  	_ =	strace $0x8FFFFFFF  }
0x98: {  	s18 =	sld [smem:$0x3FDB];
	_ =	sdelay $0x1  }
0x99: {  	s19 =	simm.s32 $_scs_section_size  }
0x9a: {  	s4 =	simm.s32 $_size__tile_overlayer_lowered;
	s5 =	simm.s32 $_tile_overlayer_lowered  }
0x9b: {  	s22 =	simm.s32 $0x1BFF;
	s21 =	sshll.u32 s5, $0x1;
	s2 =	sadd.s32 s19, s18  }
0x9c: {  	s6 =	simm.s32 $0x0;
	s20 =	sshll.u32 s4, $0x1;
	s4 =	sadd.s32 s21, s2  }
0x9d: {  	[timem:s6], [sflag:s22] =	dma.local [hbm:s4], s20  }
0x9e: {  	_ =	swait.ge [sflag:s22], s20  }
0x9f: {  	s3 =	ssub.s32 $0x0, s20;
	[sflag:s22] =	ssyncset.done $0x0  }
0xa0: {  	[sflag:s22] =	ssyncadd.s32 s3;
	_ =	sdelay $0x1  }
0xa1: {  	s23 =	simm.s32 $0x1B8B  }
0xa2: {  	_ =	swait.ge [sflag:s23], $0x1  }
0xa3: {  	[sflag:s23] =	ssyncset.done $0x0  }
0xa4: {  	s25 =	simm.s32 $0x1B8E;
	s24 =	sld [smem:$0x3FFE];
	[sflag:s23] =	ssyncadd.s32 $0xFFFFFFFF  }
0xa5: {  	s26 =	simm.s32 $execute0_lowered;
	[smem:$0x3FD2] =	sst s25  }
0xa6: {  	s4 =	sshll.u32 s26, $0x1;
	_ =	strace $0x80000046;
	[dreg:$0x1] =	wrdreg $0xFFFFFFFF  }
0xa7: {  	s28 =	simm.s32 $_size_execute0_lowered;
	s2 =	sadd.s32 s2, s4;
	[dreg:$0x0] =	wrdreg $0x0  }
0xa8: {  	s4 =	sshll.u32 s28, $0x1;
	[dreg:$0x2] =	wrdreg s2  }
0xa9: {  	[dreg:$0x3] =	wrdreg s4  }
0xaa: {  	[dreg:$0x4] =	wrdreg $0xC0  }
0xab: {  	_ =	task [dreg:s6], $0x5FFFF  }
0xac: {  	[dreg:$0x1] =	wrdreg $0xFFFFFFFF  }
0xad: {  	[dreg:$0x0] =	wrdreg $0x60  }
0xae: {  	[dreg:$0x2] =	wrdreg s24  }
0xaf: {  	[dreg:$0x3] =	wrdreg $0x9  }
0xb0: {  	_ =	task.clear_ibuf [dreg:s6], $0x4FFFF;
	_ =	strace $0x90000046  }
0xb1: {  	s29 =	simm.s32 $0x9;
	_ =	strace $0x80000048  }
0xb2: {  	_ =	swait.ge [sflag:s29], $0x1  }
0xb3: {  	[sflag:s29] =	ssyncadd.s32 $0xFFFFFFFF  }
0xb4: {  	_ =	strace $0x90000048  }
0xb5: {  	_ =	sfence  }
0xb6: {  	s30 =	sld [smem:$0x0];
	_ =	sdelay $0x2  }
0xb7: {  	s31 =	sshll.u32 s1, $0xD;
	s1 =	sshrl.u32 s1, $0x2  }
0xb8: {  	s3 =	sand.u32 $0x4000, s31;
	s1 =	sadd.s32 s1, s30  }
0xb9: {  	s0 =	sor.u32 s3, s0;
	s1 =	sshll.u32 s1, $0x11  }
0xba: {  	s0 =	sor.u32 s1, s0  }
0xbb: {  	s0 =	sadd.s32 $0x8F2B, s0  }
0xbc: {  	[sflag:s0] =	ssyncadd.remote.s32 $0x1  }
0xbd: {  	_ =	sfence.sel $0xFFFF  }
0xbe: {  	[dreg:$0x0] =	wrdreg $0xFFFFFFFF;
	(pc) =	sbr.abs _section_cstart, $3  }
0xbf: {  	[dreg:$0x1] =	wrdreg $0xFFFFFFFF  }
0xc0: {  	_ =	task.clear_ibuf [dreg:s6], $0x2FFFF;
	_ =	strace $0x9FFFFFFF  }
0xc1: {  	(tm) =	ssettm $0x7FFFFFFF  }
tec
execute0_lowered:
.L_overlay_start_1:
0x0: {  	(tag) =	ssettag $0x1  }
0x1: {  	s1 =	srdreg.scid  }
0x2: {  	s0 =	stileid.u32;
	s4 =	rddreg [dreg:$0x0];
	s2 =	simm.s32 $0x0  }
0x3: {  	s11 =	simm.s32 $0x0;
	s5 =	sand.u32 $0x1, s1;
	s1 =	rddreg [dreg:$0x1]  }
0x4: {  	s3 =	sshll.u32 s0, $0x1;
	[smem:$0x7FF] =	sst s2;
	s7 =	smul.u32 $0x34000, s0  }
0x5: {  	s3 =	sor.u32 s5, s3;
	_ =	strace $0x80000047;
	s10 =	smul.u32 $0x1A000, s5  }
0x6: {  	s8 =	ssub.s32 $0x2, s5;
	s6 =	smul.u32 $0x680, s3;
	s3 =	sadd.s32 $0x27AEA00, s4  }
0x7: {  	s9 =	sshrl.u32 s8, $0x1;
	s30 =	sadd.s32 s7, s4;
	s7 =	simm.s32 $0x2  }
0x8: {  	s31 =	ssub.s32 s8, s9;
	s8 =	simm.s32 $0x80;
	s9 =	simm.s32 $0x3400  }
0x9: {  	s29 =	sadd.s32 s6, s4;
	s5 =	smax.u32 s31, $0x1;
	s6 =	sadd.s32 s10, s30  }
0xa: {  	s10 =	simm.s32 $0x1;
	s4 =	sadd.s32 $0x2600, s29;
	s6 =	sadd.s32 $0xF600, s6  }
.LBB2_1:
0xb: {  	[tilespmem:s2], [sflag:$0x2] =	stream.linear.gather [hbm4b:s4+s2], $0x3400, $0x38;
	[tilespmem:$0x5400] =	vst v63  }
0xc: {  	_ =	swait.ge [sflag:s7], $0x3400  }
0xd: {  	[sflag:s7] =	ssyncset.done $0x0  }
0xe: {  	s12 =	simm.s32 $0x0;
	[sflag:s7] =	ssyncadd.s32 $0xFFFFCC00  }
0xf: {  	[tilespmem:s9], [sflag:$0x1] =	stream.indirect.gather [hbm4b:s3+s8], $0x40, s12, s8, $0xb8;
	[tilespmem:$0x5400] =	vst v63  }
0x10: {  	_ =	swait.ge [sflag:s10], $0x2000  }
0x11: {  	[sflag:s10] =	ssyncset.done $0x0  }
0x12: {  	[sflag:s10] =	ssyncadd.s32 $0xFFFFE000  }
0x13: {  	[hbm4b:s6+s2] =	stream.linear.scatter [tilespmem:s9], [sflag:$0x2], $0x2000, $0x38;
	[tilespmem:$0x5400] =	vst v63  }
0x14: {  	s13 =	simm.s32 $0x200;
	_ =	swait.ge [sflag:s7], $0x2000  }
0x15: {  	s14 =	simm.s32 $0x400;
	s12 =	sadd.s32 $0x400, s6;
	[sflag:s7] =	ssyncset.done $0x0  }
.LBB2_2:
0x16: {  	s15 =	sshra.s32 s13, $0x2  }
0x17: {  	[sflag:s7] =	ssyncadd.s32 $0xFFFFE000;
	s13 =	smov.u32 s14;
	s16 =	sadd.s32 $0x200, s14  }
0x18: {  	[tilespmem:s9], [sflag:$0x1] =	stream.indirect.gather [hbm4b:s3+s8], $0x40, s15, s8, $0xb8;
	[tilespmem:$0x5400] =	vst v63  }
0x19: {  	p0 =	sne.s32 s14, $0xCE00;
	_ =	swait.ge [sflag:s10], $0x2000  }
.Ltmp0:
0x1a: {  	[sflag:s10] =	ssyncset.done $0x0;
	(pc) =	sbr.rel @p0 .LBB2_2-.Ltmp0, $4  }
0x1b: {  	[sflag:s10] =	ssyncadd.s32 $0xFFFFE000  }
0x1c: {  	[hbm4b:s12+s2] =	stream.linear.scatter [tilespmem:s9], [sflag:$0x2], $0x2000, $0x38;
	[tilespmem:$0x5400] =	vst v63  }
0x1d: {  	_ =	swait.ge [sflag:s7], $0x2000  }
0x1e: {  	s14 =	smov.u32 s16;
	s12 =	sadd.s32 $0x400, s12;
	[sflag:s7] =	ssyncset.done $0x0  }
0x1f: {  	s13 =	sshra.s32 s13, $0x2;
	[sflag:s7] =	ssyncadd.s32 $0xFFFFE000  }
0x20: {  	[tilespmem:s9], [sflag:$0x1] =	stream.indirect.gather [hbm4b:s3+s8], $0x40, s13, s8, $0xb8;
	[tilespmem:$0x5400] =	vst v63  }
0x21: {  	s11 =	sadd.s32 $0x1, s11;
	_ =	swait.ge [sflag:s10], $0x2000  }
0x22: {  	p0 =	sne.s32 s11, s5;
	[sflag:s10] =	ssyncset.done $0x0  }
.Ltmp1:
0x23: {  	[sflag:s10] =	ssyncadd.s32 $0xFFFFE000;
	(pc) =	sbr.rel @p0 .LBB2_1-.Ltmp1, $4  }
0x24: {  	[hbm4b:s12+s2] =	stream.linear.scatter [tilespmem:s9], [sflag:$0x2], $0x2000, $0x38;
	[tilespmem:$0x5400] =	vst v63  }
0x25: {  	_ =	swait.ge [sflag:s7], $0x2000  }
0x26: {  	[sflag:s7] =	ssyncset.done $0x0  }
0x27: {  	[sflag:s7] =	ssyncadd.s32 $0xFFFFE000  }
0x28: {  	_ =	sfence.sel $0x180000  }
0x29: {  	[bflag:$0x0] =	sbarrier.arrive $0xFFFF  }
0x2a: {  	p0 =	sne.s32 s0, $0x0;
	_ =	strace $0x90000047  }
0x2b: {  	s0 =	sadd.s32 @!p0 $0x100000, s1;
	[bflag:$0x2] =	sbarrier.arrive $0xFFFF  }
0x2c: {  	[sflag:s0] =	ssyncadd.tile.s32 @!p0 $0x1;
	_ =	shalt  }
.Lfunc_end2:
_tile_overlayer_lowered:
.L_overlay_start_2:
0x2d: {  	(tag) =	ssettag $0x2  }
0x2e: {  	s0 =	rddreg [dreg:$0x0];
	s2 =	stileid.u32  }
0x2f: {  	s1 =	rddreg [dreg:$0x1];
	p0 =	sne.s32 s2, $0x0  }
0x30: {  	s3 =	rddreg [dreg:$0x2];
	[bflag:$0x3] =	sbarrier.arrive $0xFFFF;
	s2 =	simm.s32 @!p0 $0x1C02  }
0x31: {  	[timem:s3], [sflag:s2] =	dma.local @!p0 [hbm:s0], s1  }
0x32: {  	s0 =	simm.s32 @!p0 $0x2  }
0x33: {  	_ =	swait.ge @!p0 [sflag:s0], s1  }
0x34: {  	s1 =	ssub.s32 @!p0 $0x0, s1;
	[sflag:s0] =	ssyncset.done @!p0 $0x0  }
0x35: {  	[sflag:s0] =	ssyncadd.s32 @!p0 s1  }
0x36: {  	[bflag:$0x3] =	sbarrier.arrive $0xFFFF  }
0x37: {  	_ =	shalt  }

</sc_bundles>
